<compile_context>
chip_gen: v7x
topology: tpu7x:2x2x1
jax: 0.10.2.dev20260603
libtpu: 0.0.44.dev20260713+nightly
codegen_flags: <defaults>
</compile_context>

<pallas_src>
import functools

import jax
import jax.numpy as jnp
from jax import lax
from jax.experimental import pallas as pl
from jax.experimental.pallas import tpu as pltpu
from jax.experimental.pallas import tpu_sc as plsc

BATCH = 4
WINDOW = 8192
D_MODEL = 768

BLK_W = 512


def _add_kernel(x_ref, emb_ref, out_ref):
    out_ref[...] = x_ref[...] + emb_ref[...]


def _tc_kernel(X, embedding):
    grid = (WINDOW // BLK_W,)
    return pl.pallas_call(
        _add_kernel,
        grid=grid,
        in_specs=[
            pl.BlockSpec((BATCH, BLK_W, D_MODEL), lambda i: (0, i, 0)),
            pl.BlockSpec((BLK_W, D_MODEL), lambda i: (i, 0)),
        ],
        out_specs=pl.BlockSpec((BATCH, BLK_W, D_MODEL), lambda i: (0, i, 0)),
        out_shape=jax.ShapeDtypeStruct((BATCH, WINDOW, D_MODEL), X.dtype),
    )(X, embedding)


NC = 2
NS = 16
NW = NC * NS
LANES = 16

TOT = BATCH * WINDOW * D_MODEL
PER_W = TOT // NW
EMB_TOT = WINDOW * D_MODEL
CHUNK = 24576
N_CHUNKS = PER_W // CHUNK
UNROLL = 8

_sc_mesh = plsc.VectorSubcoreMesh(core_axis_name="c", subcore_axis_name="s")


@functools.partial(
    pl.kernel,
    mesh=_sc_mesh,
    out_type=jax.ShapeDtypeStruct((TOT,), jnp.float32),
    scratch_types=[
        pltpu.VMEM((CHUNK,), jnp.float32),
        pltpu.VMEM((CHUNK,), jnp.float32),
        pltpu.VMEM((CHUNK,), jnp.float32),
        pltpu.VMEM((CHUNK,), jnp.float32),
        pltpu.SemaphoreType.DMA,
        pltpu.SemaphoreType.DMA,
        pltpu.SemaphoreType.DMA,
        pltpu.SemaphoreType.DMA,
    ],
)
def _sc_add(x_hbm, emb_hbm, out_hbm,
            xbuf0, xbuf1, ebuf0, ebuf1,
            sin0, sin1, sout0, sout1):
    xbuf = [xbuf0, xbuf1]
    ebuf = [ebuf0, ebuf1]
    sin = [sin0, sin1]
    sout = [sout0, sout1]

    wid = lax.axis_index("s") * NC + lax.axis_index("c")
    base = wid * PER_W
    emb_base = (wid % (EMB_TOT // PER_W)) * PER_W

    def in_descs(idx, b):
        off = base + idx * CHUNK
        eoff = emb_base + idx * CHUNK
        return (
            pltpu.make_async_copy(x_hbm.at[pl.ds(off, CHUNK)], xbuf[b], sin[b]),
            pltpu.make_async_copy(emb_hbm.at[pl.ds(eoff, CHUNK)], ebuf[b], sin[b]),
        )

    def out_desc(idx, b):
        off = base + idx * CHUNK
        return pltpu.make_async_copy(xbuf[b], out_hbm.at[pl.ds(off, CHUNK)], sout[b])

    for b in range(2):
        dx, de = in_descs(b, b)
        dx.start()
        de.start()

    def step(idx, b):
        dx, de = in_descs(idx, b)
        dx.wait()
        de.wait()

        def add_body(i, carry2):
            s = i * (LANES * UNROLL)
            for u in range(UNROLL):
                sl = pl.ds(s + u * LANES, LANES)
                plsc.addupdate(xbuf[b].at[sl], ebuf[b][sl])
            return carry2

        lax.fori_loop(0, CHUNK // (LANES * UNROLL), add_body, 0)
        out_desc(idx, b).start()

        @pl.when(idx + 2 < N_CHUNKS)
        def _():
            out_desc(idx, b).wait()
            nx, ne = in_descs(idx + 2, b)
            nx.start()
            ne.start()

    def chunk_body(j, carry):
        for b in range(2):
            step(j * 2 + b, b)
        return carry

    lax.fori_loop(0, N_CHUNKS // 2, chunk_body, 0)

    for b in range(2):
        out_desc(N_CHUNKS - 2 + b, b).wait()


def _sc_kernel(X, embedding):
    out = _sc_add(X.reshape(-1), embedding.reshape(-1))
    return out.reshape(BATCH, WINDOW, D_MODEL)


SP_CHUNK = 131072
SP_ROUNDS = PER_W // SP_CHUNK


@functools.partial(
    pl.kernel,
    mesh=_sc_mesh,
    out_type=jax.ShapeDtypeStruct((TOT,), jnp.float32),
    scratch_types=[
        pltpu.VMEM_SHARED((NS * SP_CHUNK,), jnp.float32),
        pltpu.SemaphoreType.DMA,
    ],
)
def _sc_spmem_probe(x_hbm, out_hbm, shared, sem):
    wid = lax.axis_index("s") * NC + lax.axis_index("c")
    sid = lax.axis_index("s")
    base = wid * PER_W
    sbase = sid * SP_CHUNK

    def body(r, carry):
        off = base + r * SP_CHUNK
        pltpu.make_async_copy(
            x_hbm.at[pl.ds(off, SP_CHUNK)], shared.at[pl.ds(sbase, SP_CHUNK)], sem
        ).start()
        pltpu.make_async_copy(
            x_hbm.at[pl.ds(off, SP_CHUNK)], shared.at[pl.ds(sbase, SP_CHUNK)], sem
        ).wait()
        pltpu.make_async_copy(
            shared.at[pl.ds(sbase, SP_CHUNK)], out_hbm.at[pl.ds(off, SP_CHUNK)], sem
        ).start()
        pltpu.make_async_copy(
            shared.at[pl.ds(sbase, SP_CHUNK)], out_hbm.at[pl.ds(off, SP_CHUNK)], sem
        ).wait()
        return carry

    lax.fori_loop(0, SP_ROUNDS, body, 0)


def kernel(X, embedding):
    out = _sc_spmem_probe(X.reshape(-1))
    return out.reshape(BATCH, WINDOW, D_MODEL)

# --- scband reference (transcript-rebuilt; emitter-appended) ---
"""Pipeline reference for scband-positional-encoding-23184233464172 (READ-ONLY COPY).

The authoritative reference and input builder live on the scoring server;
editing this copy changes nothing except your own understanding.
"""

import jax, jax.numpy as jnp
import numpy as np

D_MODEL = 768
WINDOW = 8192
BATCH = 4

def setup_inputs(seed: int = 0) -> dict:
    key = jax.random.key(seed)
    k1, k2 = jax.random.split(key)
    X = jax.random.normal(k1, (BATCH, WINDOW, D_MODEL), dtype=jnp.float32)
    # learned positional embedding table, nn.Embedding default init ~ N(0,1)
    embedding = jax.random.normal(k2, (WINDOW, D_MODEL), dtype=jnp.float32)
    return {"X": X, "embedding": embedding}

def reference(X, embedding):
    idx = jnp.arange(WINDOW)
    position = jnp.take(embedding, idx, axis=0)  # embedding lookup (gather)
    return X + position

if __name__ == "__main__":
    import jax
    _d = setup_inputs()
    print(jax.jit(kernel)(*tuple(_d.values())))

</pallas_src>

<mosaic_0001>
#map = affine_map<(d0, d1) -> (0)>
module attributes {stable_mosaic.version = 14 : i64} {
  func.func @_sc_spmem_probe(%arg0: i32, %arg1: i32, %arg2: memref<25165824xf32, #tpu.memory_space<hbm>>, %arg3: memref<25165824xf32, #tpu.memory_space<hbm>>, %arg4: memref<2097152xf32, #tpu.memory_space<vmem_shared>>, %arg5: memref<!tpu.dma_semaphore, #tpu.memory_space<semaphore_mem>>) attributes {dimension_semantics = [#tpu.dimension_semantics<core_parallel>, #tpu.dimension_semantics<subcore_parallel>], iteration_bounds = array<i64: 2, 16>, scalar_prefetch = 0 : i64, scratch_operands = 2 : i64, tpu.core_type = #tpu.core_type<sc_vector_subcore>, window_params = [{transform_indices = #map}, {transform_indices = #map}]} {
    %mul3A = arith.constant 2 : i32
    %mul3A_0 = arith.muli %arg1, %mul3A : i32
    %add3A = arith.addi %mul3A_0, %arg0 : i32
    %mul3A_1 = arith.constant 786432 : i32
    %mul3A_2 = arith.muli %add3A, %mul3A_1 : i32
    %mul3A_3 = arith.constant 131072 : i32
    %mul3A_4 = arith.muli %arg1, %mul3A_3 : i32
    %scan3A = arith.constant 0 : i32
    %scan3A_5 = arith.constant 0 : i32
    %scan3A_6 = arith.constant 6 : i32
    %scan3A_7 = arith.addi %scan3A_5, %scan3A_6 : i32
    %scan3A_8 = arith.constant 1 : i32
    scf.for %scan3A_10 = %scan3A_5 to %scan3A_7 step %scan3A_8  : i32 {
      %mul3A_11 = arith.constant 131072 : i32
      %mul3A_12 = arith.muli %scan3A_10, %mul3A_11 : i32
      %add3A_13 = arith.addi %mul3A_2, %mul3A_12 : i32
      %dma_start3A = tpu.memref_slice %arg4[%mul3A_4] : memref<2097152xf32, #tpu.memory_space<vmem_shared>> -> memref<131072xf32, #tpu.memory_space<vmem_shared>>
      %dma_start3A_14 = tpu.memref_slice %arg2[%add3A_13] : memref<25165824xf32, #tpu.memory_space<hbm>> -> memref<131072xf32, #tpu.memory_space<hbm>>
      tpu.enqueue_dma source(%dma_start3A_14 : memref<131072xf32, #tpu.memory_space<hbm>>) target(%dma_start3A : memref<131072xf32, #tpu.memory_space<vmem_shared>>) target_semaphore(%arg5 : memref<!tpu.dma_semaphore, #tpu.memory_space<semaphore_mem>>)
      %dma_wait3A = tpu.memref_slice %arg4[%mul3A_4] : memref<2097152xf32, #tpu.memory_space<vmem_shared>> -> memref<131072xf32, #tpu.memory_space<vmem_shared>>
      %dma_wait3A_15 = tpu.memref_slice %arg2[%add3A_13] : memref<25165824xf32, #tpu.memory_space<hbm>> -> memref<131072xf32, #tpu.memory_space<hbm>>
      tpu.wait_dma2 semaphore(%arg5 : memref<!tpu.dma_semaphore, #tpu.memory_space<semaphore_mem>>) src(%dma_wait3A_15 : memref<131072xf32, #tpu.memory_space<hbm>>) dst(%dma_wait3A : memref<131072xf32, #tpu.memory_space<vmem_shared>>)
      %dma_start3A_16 = tpu.memref_slice %arg3[%add3A_13] : memref<25165824xf32, #tpu.memory_space<hbm>> -> memref<131072xf32, #tpu.memory_space<hbm>>
      %dma_start3A_17 = tpu.memref_slice %arg4[%mul3A_4] : memref<2097152xf32, #tpu.memory_space<vmem_shared>> -> memref<131072xf32, #tpu.memory_space<vmem_shared>>
      tpu.enqueue_dma source(%dma_start3A_17 : memref<131072xf32, #tpu.memory_space<vmem_shared>>) target(%dma_start3A_16 : memref<131072xf32, #tpu.memory_space<hbm>>) target_semaphore(%arg5 : memref<!tpu.dma_semaphore, #tpu.memory_space<semaphore_mem>>)
      %dma_wait3A_18 = tpu.memref_slice %arg3[%add3A_13] : memref<25165824xf32, #tpu.memory_space<hbm>> -> memref<131072xf32, #tpu.memory_space<hbm>>
      %dma_wait3A_19 = tpu.memref_slice %arg4[%mul3A_4] : memref<2097152xf32, #tpu.memory_space<vmem_shared>> -> memref<131072xf32, #tpu.memory_space<vmem_shared>>
      tpu.wait_dma2 semaphore(%arg5 : memref<!tpu.dma_semaphore, #tpu.memory_space<semaphore_mem>>) src(%dma_wait3A_19 : memref<131072xf32, #tpu.memory_space<vmem_shared>>) dst(%dma_wait3A_18 : memref<131072xf32, #tpu.memory_space<hbm>>)
    }
    %scan3A_9 = arith.constant 6 : i32
    return
  }
}

</mosaic_0001>

<sc_bundles>
// kernel: kernel.3.cloned.1.call-start
scs
__scs_entry_jumppad:
0x0: {  	(pc) =	sbr.rel $0x88, $3  }
0x1: {  	(tag) =	ssettag $0x0;
	lr =	simm.s32 $0x1  }
0x2: {  	[smem:$0x3FA0] =	sst lr;
	_ =	strace $0xD0000000  }
0x3: {  	_ = 	snop  }
0x4: {  	_ = 	snop  }
0x5: {  	_ = 	snop  }
0x6: {  	_ = 	snop  }
0x7: {  	_ = 	snop  }
__scs_overlays_trampoline_lowered:
0x8: {  	[smem:$0x3FAF] =	sst s0  }
0x9: {  	[smem:$0x3FB0] =	sst s1  }
0xa: {  	[smem:$0x3FB1] =	sst s2  }
0xb: {  	[smem:$0x3FB2] =	sst s3  }
0xc: {  	[smem:$0x3FB3] =	sst s4  }
0xd: {  	[smem:$0x3FB4] =	sst s5  }
0xe: {  	[smem:$0x3FB5] =	sst s6  }
0xf: {  	[smem:$0x3FB6] =	sst s7  }
0x10: {  	[smem:$0x3FB7] =	sst s8  }
0x11: {  	[smem:$0x3FB8] =	sst s9;
	s0 =	simm.s32 @!p0 $0x0  }
0x12: {  	s1 =	sld [smem:$0x3F9E];
	s0 =	simm.s32 @p0 $0x1  }
0x13: {  	[smem:$0x3FB9] =	sst s0;
	s0 =	simm.s32 @!p1 $0x0  }
0x14: {  	s2 =	sld [smem:$0x3F9D];
	s0 =	simm.s32 @p1 $0x1  }
0x15: {  	[smem:$0x3FBA] =	sst s0;
	s0 =	simm.s32 @!p2 $0x0  }
0x16: {  	s3 =	sld [smem:$0x3FDB];
	s0 =	simm.s32 @p2 $0x1  }
0x17: {  	s4 =	simm.s32 $0x1BF5;
	[smem:$0x3FBC] =	sst s0  }
0x18: {  	s0 =	sld [smem:$0x3F9F];
	_ =	swait.ge [sflag:s4], $0x0  }
0x19: {  	s7 =	sld [smem:$0x3FA0]  }
0x1a: {  	s8 =	sadd.s32 $0xFFFFE003, lr  }
0x1b: {  	s9 =	sadd.s32 $0xFFFFFEF7, lr;
	s5 =	simm.s32 $0xFFFFFFFF;
	p2 =	slt.u32 s8, $0xFFFFF086  }
0x1c: {  	p1 =	slt.u32 s9, $0xF7A;
	s5 =	simm.s32 @!p2 $0x0  }
0x1d: {  	s5 =	simm.s32 @p1 $0x1;
	p0 =	seq.s32 s7, s2  }
0x1e: {  	s7 =	smul.u32 @!p0 $0xF7A, s2;
	p2 =	seq.s32 @!p0 s5, $0x0  }
0x1f: {  	s9 =	smul.u32 $0xF7A, s1;
	s8 =	simm.s32 @!p0 $0x1BF5;
	p2 =	por !p2, p0  }
0x20: {  	[sflag:s8] =	ssyncset.s32 @!p0 $0xFFFFF086;
	s6 =	sadd.s32 @!p0 s3, s7;
	s7 =	simm.s32 @!p0 $0x108  }
0x21: {  	s3 =	sadd.s32 s3, s9;
	s6 =	sadd.s32 @!p0 $0x88, s6;
	s7 =	simm.s32 @p2 $0x1082  }
0x22: {  	[simem:s7], [sflag:s8] =	dma.local @!p0 [hbm:s6], $0xF7A  }
0x23: {  	s9 =	sor.u32 $0xD0000000, s2;
	s6 =	simm.s32 $0x108;
	_ =	swait.ge @!p0 [sflag:s8], $0x0  }
0x24: {  	s3 =	sadd.s32 $0x88, s3;
	s6 =	simm.s32 @!p1 $0x1082;
	[sflag:s4] =	ssyncset.s32 $0xFFFFF086  }
0x25: {  	[simem:s6], [sflag:s4] =	dma.local [hbm:s3], $0xF7A  }
0x26: {  	[smem:$0x3FA0] =	sst s1;
	(tag) =	ssettag s2;
	_ =	strace s9  }
0x27: {  	s1 =	sld [smem:$0x3FB0]  }
0x28: {  	s2 =	sld [smem:$0x3FB1]  }
0x29: {  	s4 =	sld [smem:$0x3FB3]  }
0x2a: {  	p0 =	seq.s32 s5, $0x0;
	s5 =	sld [smem:$0x3FB4]  }
0x2b: {  	s6 =	sld [smem:$0x3FB5]  }
0x2c: {  	s7 =	sld [smem:$0x3FB6]  }
0x2d: {  	s3 =	simm.s32 $0x108;
	s8 =	sld [smem:$0x3FB7]  }
0x2e: {  	s3 =	simm.s32 @!p0 $0x1082;
	s9 =	sld [smem:$0x3FB8]  }
0x2f: {  	lr =	sadd.s32 s0, s3;
	s0 =	sld [smem:$0x3FAF]  }
0x30: {  	s3 =	sld [smem:$0x3FB2]  }
0x31: {  	[smem:$0x3FBB] =	sst s10  }
0x32: {  	s10 =	sld [smem:$0x3FB9];
	_ =	sdelay $0x3  }
0x33: {  	p0 =	seq.s32 s10, $0x1;
	s10 =	sld [smem:$0x3FBB];
	_ =	sdelay $0x3  }
0x34: {  	[smem:$0x3FBB] =	sst s10  }
0x35: {  	s10 =	sld [smem:$0x3FBA];
	_ =	sdelay $0x3  }
0x36: {  	p1 =	seq.s32 s10, $0x1;
	s10 =	sld [smem:$0x3FBB];
	_ =	sdelay $0x3  }
0x37: {  	[smem:$0x3FBB] =	sst s10  }
0x38: {  	s10 =	sld [smem:$0x3FBC]  }
0x39: {  	_ = 	snop;
	(pc) =	sbr.ind lr, $3  }
0x3a: {  	_ = 	snop  }
0x3b: {  	_ = 	snop  }
0x3c: {  	p2 =	seq.s32 s10, $0x1;
	s10 =	sld [smem:$0x3FBB]  }
0x3d: {  	_ =	shalt  }
0x3e: {  	_ =	shalt  }
0x3f: {  	_ =	shalt  }
0x40: {  	_ =	shalt  }
0x41: {  	_ =	shalt  }
0x42: {  	_ =	shalt  }
0x43: {  	_ =	shalt  }
0x44: {  	_ =	shalt  }
0x45: {  	_ =	shalt  }
0x46: {  	_ =	shalt  }
0x47: {  	_ =	shalt  }
0x48: {  	_ =	shalt  }
0x49: {  	_ =	shalt  }
0x4a: {  	_ =	shalt  }
0x4b: {  	_ =	shalt  }
0x4c: {  	_ =	shalt  }
0x4d: {  	_ =	shalt  }
0x4e: {  	_ =	shalt  }
0x4f: {  	_ =	shalt  }
0x50: {  	_ =	shalt  }
0x51: {  	_ =	shalt  }
0x52: {  	_ =	shalt  }
0x53: {  	_ =	shalt  }
0x54: {  	_ =	shalt  }
0x55: {  	_ =	shalt  }
0x56: {  	_ =	shalt  }
0x57: {  	_ =	shalt  }
0x58: {  	_ =	shalt  }
0x59: {  	_ =	shalt  }
0x5a: {  	_ =	shalt  }
0x5b: {  	_ =	shalt  }
0x5c: {  	_ =	shalt  }
0x5d: {  	_ =	shalt  }
0x5e: {  	_ =	shalt  }
0x5f: {  	_ =	shalt  }
0x60: {  	_ =	shalt  }
0x61: {  	_ =	shalt  }
0x62: {  	_ =	shalt  }
0x63: {  	_ =	shalt  }
0x64: {  	_ =	shalt  }
0x65: {  	_ =	shalt  }
0x66: {  	_ =	shalt  }
0x67: {  	_ =	shalt  }
0x68: {  	_ =	shalt  }
0x69: {  	_ =	shalt  }
0x6a: {  	_ =	shalt  }
0x6b: {  	_ =	shalt  }
0x6c: {  	_ =	shalt  }
0x6d: {  	_ =	shalt  }
0x6e: {  	_ =	shalt  }
0x6f: {  	_ =	shalt  }
0x70: {  	_ =	shalt  }
0x71: {  	_ =	shalt  }
0x72: {  	_ =	shalt  }
0x73: {  	_ =	shalt  }
0x74: {  	_ =	shalt  }
0x75: {  	_ =	shalt  }
0x76: {  	_ =	shalt  }
0x77: {  	_ =	shalt  }
0x78: {  	_ =	shalt  }
0x79: {  	_ =	shalt  }
0x7a: {  	_ =	shalt  }
0x7b: {  	_ =	shalt  }
0x7c: {  	_ =	shalt  }
0x7d: {  	_ =	shalt  }
0x7e: {  	_ =	shalt  }
0x7f: {  	_ =	shalt  }
0x80: {  	_ =	shalt  }
0x81: {  	_ =	shalt  }
0x82: {  	_ =	shalt  }
0x83: {  	_ =	shalt  }
0x84: {  	_ =	shalt  }
0x85: {  	_ =	shalt  }
0x86: {  	_ =	shalt  }
0x87: {  	_ =	shalt  }
.Lfunc_end0:
.L_simem_size_0:
called_computation_lowered:
.L_overlay_start_0:
0x88: {  	s2 =	sld [smem:$0x3FD9]  }
0x89: {  	s3 =	sld [smem:$0x3FFE];
	_ =	sdelay $0x1  }
0x8a: {  	s1 =	srdreg.scid  }
0x8b: {  	s0 =	sand.u32 $0x1, s1  }
0x8c: {  	s17 =	sshll.u32 s0, $0xA;
	s2 =	sadd.s32 s3, s2  }
0x8d: {  	s2 =	sadd.s32 s2, s17  }
0x8e: {  	[smem:$0x3FC7] =	sst s2  }
0x8f: {  	_ = 	snop  }
0x90: {  	s2 =	sld [smem:$0x3FD0];
	(tm) =	ssettm $0x1  }
0x91: {  	s18 =	sld [smem:$0x3FFB];
	_ =	sdelay $0x3  }
0x92: {  	_ =	strace s18  }
0x93: {  	s3 =	sld [smem:$0x3FFC];
	_ =	sdelay $0x3  }
0x94: {  	_ =	strace s3  }
0x95: {  	s3 =	sld [smem:$0x3FFD];
	_ =	sdelay $0x3  }
0x96: {  	_ =	strace s3  }
0x97: {  	_ =	strace $0x8FFFFFFF  }
0x98: {  	s19 =	sld [smem:$0x3FDB];
	_ =	sdelay $0x1  }
0x99: {  	s4 =	simm.s32 $_scs_section_size  }
0x9a: {  	s5 =	simm.s32 $_size__tile_overlayer_lowered;
	s6 =	simm.s32 $_tile_overlayer_lowered  }
0x9b: {  	s22 =	simm.s32 $0x1BFF;
	s21 =	sshll.u32 s6, $0x1;
	s3 =	sadd.s32 s4, s19  }
0x9c: {  	s7 =	simm.s32 $0x0;
	s20 =	sshll.u32 s5, $0x1;
	s5 =	sadd.s32 s21, s3  }
0x9d: {  	[timem:s7], [sflag:s22] =	dma.local [hbm:s5], s20  }
0x9e: {  	_ =	swait.ge [sflag:s22], s20  }
0x9f: {  	s4 =	ssub.s32 $0x0, s20;
	[sflag:s22] =	ssyncset.done $0x0  }
0xa0: {  	[sflag:s22] =	ssyncadd.s32 s4;
	_ =	sdelay $0x1  }
0xa1: {  	s23 =	simm.s32 $0x1B8B  }
0xa2: {  	_ =	swait.ge [sflag:s23], $0x1  }
0xa3: {  	[sflag:s23] =	ssyncset.done $0x0  }
0xa4: {  	s25 =	simm.s32 $0x1B8E;
	s24 =	sld [smem:$0x3FFE];
	[sflag:s23] =	ssyncadd.s32 $0xFFFFFFFF  }
0xa5: {  	s26 =	simm.s32 $execute0_lowered;
	[smem:$0x3FD2] =	sst s25  }
0xa6: {  	s5 =	sshll.u32 s26, $0x1;
	_ =	strace $0x80000046;
	[dreg:$0x1] =	wrdreg $0xFFFFFFFF  }
0xa7: {  	s28 =	simm.s32 $_size_execute0_lowered;
	s3 =	sadd.s32 s3, s5;
	[dreg:$0x0] =	wrdreg $0x0  }
0xa8: {  	s5 =	sshll.u32 s28, $0x1;
	[dreg:$0x2] =	wrdreg s3  }
0xa9: {  	[dreg:$0x3] =	wrdreg s5  }
0xaa: {  	[dreg:$0x4] =	wrdreg $0xC0  }
0xab: {  	_ =	task [dreg:s7], $0x5FFFF  }
0xac: {  	[dreg:$0x1] =	wrdreg $0xFFFFFFFF  }
0xad: {  	[dreg:$0x0] =	wrdreg $0x60  }
0xae: {  	[dreg:$0x2] =	wrdreg s2  }
0xaf: {  	[dreg:$0x3] =	wrdreg s24  }
0xb0: {  	[dreg:$0x4] =	wrdreg $0x0  }
0xb1: {  	[dreg:$0x5] =	wrdreg $0x9  }
0xb2: {  	_ =	task.clear_ibuf [dreg:s7], $0x6FFFF;
	_ =	strace $0x90000046  }
0xb3: {  	s29 =	simm.s32 $0x9;
	_ =	strace $0x80000048  }
0xb4: {  	_ =	swait.ge [sflag:s29], $0x1  }
0xb5: {  	[sflag:s29] =	ssyncadd.s32 $0xFFFFFFFF  }
0xb6: {  	_ =	strace $0x90000048  }
0xb7: {  	_ =	sfence  }
0xb8: {  	s30 =	sld [smem:$0x0];
	_ =	sdelay $0x2  }
0xb9: {  	s31 =	sshll.u32 s1, $0xD;
	s1 =	sshrl.u32 s1, $0x2  }
0xba: {  	s3 =	sand.u32 $0x4000, s31;
	s1 =	sadd.s32 s1, s30  }
0xbb: {  	s0 =	sor.u32 s3, s0;
	s1 =	sshll.u32 s1, $0x11  }
0xbc: {  	s0 =	sor.u32 s1, s0  }
0xbd: {  	s0 =	sadd.s32 $0x8F2B, s0  }
0xbe: {  	[sflag:s0] =	ssyncadd.remote.s32 $0x1  }
0xbf: {  	_ =	sfence.sel $0xFFFF  }
0xc0: {  	[dreg:$0x0] =	wrdreg $0xFFFFFFFF;
	(pc) =	sbr.abs _section_cstart, $3  }
0xc1: {  	[dreg:$0x1] =	wrdreg $0xFFFFFFFF  }
0xc2: {  	_ =	task.clear_ibuf [dreg:s7], $0x2FFFF;
	_ =	strace $0x9FFFFFFF  }
0xc3: {  	(tm) =	ssettm $0x7FFFFFFF  }
tec
execute0_lowered:
.L_overlay_start_1:
0x0: {  	(tag) =	ssettag $0x1  }
0x1: {  	s15 =	rddreg [dreg:$0x0]  }
0x2: {  	s1 =	srdreg.scid;
	s0 =	stileid.u32  }
0x3: {  	s6 =	rddreg [dreg:$0x1];
	s16 =	sand.u32 $0x1, s1;
	s28 =	sshll.u32 s0, $0x1  }
0x4: {  	s2 =	rddreg [dreg:$0x2];
	s4 =	simm.s32 $0x0;
	s3 =	sor.u32 s16, s28  }
0x5: {  	s1 =	rddreg [dreg:$0x3];
	s29 =	sshll.u32 s0, $0x11;
	s3 =	smul.u32 $0xC0000, s3  }
0x6: {  	[smem:$0x7FF] =	sst s4;
	s30 =	sshll.u32 s0, $0x6;
	s4 =	sadd.s32 s29, s2  }
0x7: {  	_ =	strace $0x80000047;
	s5 =	sshrl.u32 s4, $0x3;
	s17 =	sshrl.u32 s3, $0x3  }
0x8: {  	s4 =	simm.s32 $0x1;
	s3 =	sor.u32 $0x1C01, s30;
	s2 =	sadd.s32 s15, s17  }
0x9: {  	[spmem:s5], [sflag:s3] =	dma.local [hbm:s2], $0x4000  }
0xa: {  	_ =	swait.ge [sflag:s4], $0x4000  }
0xb: {  	s18 =	sadd.s32 $0x400, s6;
	[sflag:s4] =	ssyncset.done $0x0  }
0xc: {  	s6 =	sadd.s32 s18, s17;
	[sflag:s4] =	ssyncadd.s32 $0xFFFFC000  }
0xd: {  	[hbm:s6], [sflag:s3] =	dma.local [spmem:s5], $0x4000  }
0xe: {  	_ =	swait.ge [sflag:s4], $0x4000  }
0xf: {  	s8 =	sor.u32 $0x4000, s17;
	[sflag:s4] =	ssyncset.done $0x0  }
0x10: {  	s7 =	sadd.s32 s15, s8;
	[sflag:s4] =	ssyncadd.s32 $0xFFFFC000  }
0x11: {  	[spmem:s5], [sflag:s3] =	dma.local [hbm:s7], $0x4000  }
0x12: {  	_ =	swait.ge [sflag:s4], $0x4000  }
0x13: {  	[sflag:s4] =	ssyncset.done $0x0  }
0x14: {  	s8 =	sadd.s32 s18, s8;
	[sflag:s4] =	ssyncadd.s32 $0xFFFFC000  }
0x15: {  	[hbm:s8], [sflag:s3] =	dma.local [spmem:s5], $0x4000  }
0x16: {  	_ =	swait.ge [sflag:s4], $0x4000  }
0x17: {  	s10 =	sadd.s32 $0x8000, s17;
	[sflag:s4] =	ssyncset.done $0x0  }
0x18: {  	s9 =	sadd.s32 s15, s10;
	[sflag:s4] =	ssyncadd.s32 $0xFFFFC000  }
0x19: {  	[spmem:s5], [sflag:s3] =	dma.local [hbm:s9], $0x4000  }
0x1a: {  	_ =	swait.ge [sflag:s4], $0x4000  }
0x1b: {  	[sflag:s4] =	ssyncset.done $0x0  }
0x1c: {  	s10 =	sadd.s32 s18, s10;
	[sflag:s4] =	ssyncadd.s32 $0xFFFFC000  }
0x1d: {  	[hbm:s10], [sflag:s3] =	dma.local [spmem:s5], $0x4000  }
0x1e: {  	_ =	swait.ge [sflag:s4], $0x4000  }
0x1f: {  	s12 =	sadd.s32 $0xC000, s17;
	[sflag:s4] =	ssyncset.done $0x0  }
0x20: {  	s11 =	sadd.s32 s15, s12;
	[sflag:s4] =	ssyncadd.s32 $0xFFFFC000  }
0x21: {  	[spmem:s5], [sflag:s3] =	dma.local [hbm:s11], $0x4000  }
0x22: {  	_ =	swait.ge [sflag:s4], $0x4000  }
0x23: {  	[sflag:s4] =	ssyncset.done $0x0  }
0x24: {  	s12 =	sadd.s32 s18, s12;
	[sflag:s4] =	ssyncadd.s32 $0xFFFFC000  }
0x25: {  	[hbm:s12], [sflag:s3] =	dma.local [spmem:s5], $0x4000  }
0x26: {  	_ =	swait.ge [sflag:s4], $0x4000  }
0x27: {  	s14 =	sadd.s32 $0x10000, s17;
	[sflag:s4] =	ssyncset.done $0x0  }
0x28: {  	s13 =	sadd.s32 s15, s14;
	[sflag:s4] =	ssyncadd.s32 $0xFFFFC000  }
0x29: {  	[spmem:s5], [sflag:s3] =	dma.local [hbm:s13], $0x4000  }
0x2a: {  	_ =	swait.ge [sflag:s4], $0x4000  }
0x2b: {  	[sflag:s4] =	ssyncset.done $0x0  }
0x2c: {  	s16 =	ssub.s32 $0x2, s16;
	s14 =	sadd.s32 s18, s14;
	[sflag:s4] =	ssyncadd.s32 $0xFFFFC000  }
0x2d: {  	[hbm:s14], [sflag:s3] =	dma.local [spmem:s5], $0x4000  }
0x2e: {  	s19 =	sshrl.u32 s16, $0x1;
	_ =	swait.ge [sflag:s4], $0x4000  }
0x2f: {  	s19 =	ssub.s32 s16, s19;
	s17 =	sadd.s32 $0x14000, s17;
	[sflag:s4] =	ssyncset.done $0x0  }
0x30: {  	s31 =	smax.u32 s19, $0x1;
	s15 =	sadd.s32 s15, s17;
	[sflag:s4] =	ssyncadd.s32 $0xFFFFC000  }
0x31: {  	[spmem:s5], [sflag:s3] =	dma.local [hbm:s15], $0x4000  }
0x32: {  	p0 =	sne.s32 s31, $0x1;
	_ =	swait.ge [sflag:s4], $0x4000  }
.Ltmp0:
0x33: {  	[sflag:s4] =	ssyncset.done $0x0;
	(pc) =	sbr.rel @!p0 .LBB2_2-.Ltmp0, $4  }
0x34: {  	s16 =	sadd.s32 s18, s17;
	[sflag:s4] =	ssyncadd.s32 $0xFFFFC000  }
0x35: {  	[hbm:s16], [sflag:s3] =	dma.local [spmem:s5], $0x4000  }
0x36: {  	_ =	swait.ge [sflag:s4], $0x4000  }
0x37: {  	s17 =	sadd.s32 $0xFFFFFFFF, s31;
	[sflag:s4] =	ssyncset.done $0x0  }
.LBB2_1:
0x38: {  	p0 =	sne.s32 s17, $0x1;
	s17 =	sadd.s32 $0xFFFFFFFF, s17;
	[sflag:s4] =	ssyncadd.s32 $0xFFFFC000  }
0x39: {  	[spmem:s5], [sflag:s3] =	dma.local [hbm:s2], $0x4000  }
0x3a: {  	_ =	swait.ge [sflag:s4], $0x4000  }
0x3b: {  	[sflag:s4] =	ssyncset.done $0x0  }
0x3c: {  	[sflag:s4] =	ssyncadd.s32 $0xFFFFC000  }
0x3d: {  	[hbm:s6], [sflag:s3] =	dma.local [spmem:s5], $0x4000  }
0x3e: {  	_ =	swait.ge [sflag:s4], $0x4000  }
0x3f: {  	[sflag:s4] =	ssyncset.done $0x0  }
0x40: {  	[sflag:s4] =	ssyncadd.s32 $0xFFFFC000  }
0x41: {  	[spmem:s5], [sflag:s3] =	dma.local [hbm:s7], $0x4000  }
0x42: {  	_ =	swait.ge [sflag:s4], $0x4000  }
0x43: {  	[sflag:s4] =	ssyncset.done $0x0  }
0x44: {  	[sflag:s4] =	ssyncadd.s32 $0xFFFFC000  }
0x45: {  	[hbm:s8], [sflag:s3] =	dma.local [spmem:s5], $0x4000  }
0x46: {  	_ =	swait.ge [sflag:s4], $0x4000  }
0x47: {  	[sflag:s4] =	ssyncset.done $0x0  }
0x48: {  	[sflag:s4] =	ssyncadd.s32 $0xFFFFC000  }
0x49: {  	[spmem:s5], [sflag:s3] =	dma.local [hbm:s9], $0x4000  }
0x4a: {  	_ =	swait.ge [sflag:s4], $0x4000  }
0x4b: {  	[sflag:s4] =	ssyncset.done $0x0  }
0x4c: {  	[sflag:s4] =	ssyncadd.s32 $0xFFFFC000  }
0x4d: {  	[hbm:s10], [sflag:s3] =	dma.local [spmem:s5], $0x4000  }
0x4e: {  	_ =	swait.ge [sflag:s4], $0x4000  }
0x4f: {  	[sflag:s4] =	ssyncset.done $0x0  }
0x50: {  	[sflag:s4] =	ssyncadd.s32 $0xFFFFC000  }
0x51: {  	[spmem:s5], [sflag:s3] =	dma.local [hbm:s11], $0x4000  }
0x52: {  	_ =	swait.ge [sflag:s4], $0x4000  }
0x53: {  	[sflag:s4] =	ssyncset.done $0x0  }
0x54: {  	[sflag:s4] =	ssyncadd.s32 $0xFFFFC000  }
0x55: {  	[hbm:s12], [sflag:s3] =	dma.local [spmem:s5], $0x4000  }
0x56: {  	_ =	swait.ge [sflag:s4], $0x4000  }
0x57: {  	[sflag:s4] =	ssyncset.done $0x0  }
0x58: {  	[sflag:s4] =	ssyncadd.s32 $0xFFFFC000  }
0x59: {  	[spmem:s5], [sflag:s3] =	dma.local [hbm:s13], $0x4000  }
0x5a: {  	_ =	swait.ge [sflag:s4], $0x4000  }
0x5b: {  	[sflag:s4] =	ssyncset.done $0x0  }
0x5c: {  	[sflag:s4] =	ssyncadd.s32 $0xFFFFC000  }
0x5d: {  	[hbm:s14], [sflag:s3] =	dma.local [spmem:s5], $0x4000  }
0x5e: {  	_ =	swait.ge [sflag:s4], $0x4000  }
0x5f: {  	[sflag:s4] =	ssyncset.done $0x0  }
0x60: {  	[sflag:s4] =	ssyncadd.s32 $0xFFFFC000  }
0x61: {  	[spmem:s5], [sflag:s3] =	dma.local [hbm:s15], $0x4000  }
0x62: {  	_ =	swait.ge [sflag:s4], $0x4000  }
.Ltmp1:
0x63: {  	[sflag:s4] =	ssyncset.done $0x0;
	(pc) =	sbr.rel @p0 .LBB2_1-.Ltmp1, $4  }
0x64: {  	[sflag:s4] =	ssyncadd.s32 $0xFFFFC000  }
0x65: {  	[hbm:s16], [sflag:s3] =	dma.local [spmem:s5], $0x4000  }
0x66: {  	_ =	swait.ge [sflag:s4], $0x4000  }
0x67: {  	[sflag:s4] =	ssyncset.done $0x0  }
.LBB2_2:
0x68: {  	[sflag:s4] =	ssyncadd.s32 $0xFFFFC000  }
0x69: {  	_ =	sfence.sel $0x180000  }
0x6a: {  	[bflag:$0x0] =	sbarrier.arrive $0xFFFF  }
0x6b: {  	p0 =	sne.s32 s0, $0x0;
	_ =	strace $0x90000047  }
0x6c: {  	s0 =	sadd.s32 @!p0 $0x100000, s1;
	[bflag:$0x2] =	sbarrier.arrive $0xFFFF  }
0x6d: {  	[sflag:s0] =	ssyncadd.tile.s32 @!p0 $0x1;
	_ =	shalt  }
.Lfunc_end2:
_tile_overlayer_lowered:
.L_overlay_start_2:
0x6e: {  	(tag) =	ssettag $0x2  }
0x6f: {  	s0 =	rddreg [dreg:$0x0];
	s2 =	stileid.u32  }
0x70: {  	s1 =	rddreg [dreg:$0x1];
	p0 =	sne.s32 s2, $0x0  }
0x71: {  	s3 =	rddreg [dreg:$0x2];
	[bflag:$0x3] =	sbarrier.arrive $0xFFFF;
	s2 =	simm.s32 @!p0 $0x1C02  }
0x72: {  	[timem:s3], [sflag:s2] =	dma.local @!p0 [hbm:s0], s1  }
0x73: {  	s0 =	simm.s32 @!p0 $0x2  }
0x74: {  	_ =	swait.ge @!p0 [sflag:s0], s1  }
0x75: {  	s1 =	ssub.s32 @!p0 $0x0, s1;
	[sflag:s0] =	ssyncset.done @!p0 $0x0  }
0x76: {  	[sflag:s0] =	ssyncadd.s32 @!p0 s1  }
0x77: {  	[bflag:$0x3] =	sbarrier.arrive $0xFFFF  }
0x78: {  	_ =	shalt  }

</sc_bundles>
